<compile_context>
chip_gen: v7x
topology: tpu7x:2x2x1
jax: 0.10.2.dev20260603
libtpu: 0.0.44.dev20260713+nightly
codegen_flags: <defaults>
</compile_context>

<pallas_src>
import functools

import jax
import jax.numpy as jnp
from jax import lax
from jax.experimental import pallas as pl
from jax.experimental.pallas import tpu as pltpu
from jax.experimental.pallas import tpu_sc as plsc

D = 128
NC, NS = 2, 16
NW = NC * NS
CHUNK = 128


def _tables_body(k_ref, p_ref, q_ref, w1_ref, b1_ref, a_ref, b_ref):
    x = k_ref[...] + p_ref[...]
    w1 = w1_ref[...]
    a_ref[...] = jnp.dot(x, w1, preferred_element_type=jnp.float32) + b1_ref[...]
    b_ref[...] = jnp.dot(q_ref[...], w1, preferred_element_type=jnp.float32)


def _node_tables(K_h, Q_h, P_e, W1, b1):
    n = K_h.shape[0]
    blk = 1000
    row_spec = pl.BlockSpec((blk, D), lambda i: (i, 0))
    return pl.pallas_call(
        _tables_body,
        grid=(n // blk,),
        in_specs=[row_spec, row_spec, row_spec,
                  pl.BlockSpec((D, D), lambda i: (0, 0)),
                  pl.BlockSpec((1, D), lambda i: (0, 0))],
        out_specs=[row_spec, row_spec],
        out_shape=[jax.ShapeDtypeStruct((n, D), jnp.float32),
                   jax.ShapeDtypeStruct((n, D), jnp.float32)],
    )(K_h, P_e, Q_h, W1, b1.reshape(1, D))


def _gather_rows(A, B, src, dst, e_pad):
    per_w = e_pad // NW
    n_chunks = per_w // CHUNK
    mesh = plsc.VectorSubcoreMesh(core_axis_name="c", subcore_axis_name="s",
                                  num_cores=NC, num_subcores=NS)

    @functools.partial(
        pl.kernel,
        out_type=[jax.ShapeDtypeStruct((e_pad, D), jnp.float32),
                  jax.ShapeDtypeStruct((e_pad, D), jnp.float32)],
        mesh=mesh,
        compiler_params=pltpu.CompilerParams(needs_layout_passes=False),
        scratch_types=[
            pltpu.VMEM((CHUNK,), jnp.int32),
            pltpu.VMEM((CHUNK,), jnp.int32),
            pltpu.VMEM((CHUNK, D), jnp.float32),
            pltpu.VMEM((CHUNK, D), jnp.float32),
            pltpu.SemaphoreType.DMA,
            pltpu.SemaphoreType.DMA,
        ],
    )
    def k(a_hbm, b_hbm, src_hbm, dst_hbm, ga_hbm, gb_hbm,
          idx_s, idx_d, buf_a, buf_b, sem_a, sem_b):
        wid = lax.axis_index("s") * NC + lax.axis_index("c")
        base_w = wid * per_w

        def chunk_body(c, carry):
            base = base_w + c * CHUNK
            pltpu.sync_copy(src_hbm.at[pl.ds(base, CHUNK)], idx_s)
            pltpu.sync_copy(dst_hbm.at[pl.ds(base, CHUNK)], idx_d)
            cp_a = pltpu.async_copy(a_hbm.at[idx_s], buf_a, sem_a)
            cp_b = pltpu.async_copy(b_hbm.at[idx_d], buf_b, sem_b)
            cp_a.wait()
            cp_b.wait()
            pltpu.sync_copy(buf_a, ga_hbm.at[pl.ds(base, CHUNK)])
            pltpu.sync_copy(buf_b, gb_hbm.at[pl.ds(base, CHUNK)])
            return carry

        lax.fori_loop(0, n_chunks, chunk_body, 0)

    return k(A, B, src, dst)


def _score_body(ga_ref, gb_ref, w2_ref, b2_ref, out_ref):
    h = jnp.maximum(ga_ref[...] - gb_ref[...], 0.0)
    out_ref[...] = (jnp.dot(h, w2_ref[...], preferred_element_type=jnp.float32)
                    + b2_ref[...])


def _edge_scores(GA, GB, W2, b2, e_pad):
    blk = 2048
    row_spec = pl.BlockSpec((blk, D), lambda i: (i, 0))
    return pl.pallas_call(
        _score_body,
        grid=(e_pad // blk,),
        in_specs=[row_spec, row_spec,
                  pl.BlockSpec((D, 1), lambda i: (0, 0)),
                  pl.BlockSpec((1, 1), lambda i: (0, 0))],
        out_specs=pl.BlockSpec((blk, 1), lambda i: (i, 0)),
        out_shape=jax.ShapeDtypeStruct((e_pad, 1), jnp.float32),
    )(GA, GB, W2, b2.reshape(1, 1))


def kernel(K_h, Q_h, P_e, edge_index, W1, b1, W2, b2):
    n_edges = edge_index.shape[1]
    A, B = _node_tables(K_h, Q_h, P_e, W1, b1)

    grain = NW * CHUNK
    e_pad = ((n_edges + grain - 1) // grain) * grain
    pad = e_pad - n_edges
    src = jnp.concatenate([edge_index[0], jnp.zeros((pad,), jnp.int32)])
    dst = jnp.concatenate([edge_index[1], jnp.zeros((pad,), jnp.int32)])

    GA, GB = _gather_rows(A, B, src, dst, e_pad)
    scores = _edge_scores(GA, GB, W2, b2, e_pad)
    return scores[:n_edges]

# --- scband reference (transcript-rebuilt; emitter-appended) ---
"""Pipeline reference for scband-mlp-edge-34514357191071 (READ-ONLY COPY).

The authoritative reference and input builder live on the scoring server;
editing this copy changes nothing except your own understanding.
"""

import jax, jax.numpy as jnp
import numpy as np

N_NODES = 10000
N_EDGES = 320000
D = 128

def setup_inputs(seed: int = 0) -> dict:
    key = jax.random.key(seed)
    k1, k2, k3, k4, k5, k6, k7, k8 = jax.random.split(key, 8)
    K_h = jax.random.normal(k1, (N_NODES, D), dtype=jnp.float32)
    Q_h = jax.random.normal(k2, (N_NODES, D), dtype=jnp.float32)
    P_e = jax.random.normal(k3, (N_NODES, D), dtype=jnp.float32)
    edge_index = jax.random.randint(k4, (2, N_EDGES), 0, N_NODES, dtype=jnp.int64 if jax.config.jax_enable_x64 else jnp.int32).astype(jnp.int32)
    # MLP params: Linear(D, D) -> ReLU -> Linear(D, 1)
    W1 = jax.random.normal(k5, (D, D), dtype=jnp.float32) * (1.0 / np.sqrt(D))
    b1 = jnp.zeros((D,), dtype=jnp.float32)
    W2 = jax.random.normal(k6, (D, 1), dtype=jnp.float32) * (1.0 / np.sqrt(D))
    b2 = jnp.zeros((1,), dtype=jnp.float32)
    return {"K_h": K_h, "Q_h": Q_h, "P_e": P_e, "edge_index": edge_index,
            "W1": W1, "b1": b1, "W2": W2, "b2": b2}

def reference(K_h, Q_h, P_e, edge_index, W1, b1, W2, b2):
    # DGL edge udf: dif = edges.src['K_h'] - edges.dst['Q_h'] + edges.src['P_e']
    src = edge_index[0]
    dst = edge_index[1]
    dif = jnp.take(K_h, src, axis=0) - jnp.take(Q_h, dst, axis=0) + jnp.take(P_e, src, axis=0)
    # self.MLP = Linear(out_dim, out_dim) -> ReLU -> Linear(out_dim, 1)
    h = jnp.maximum(dif @ W1 + b1, 0.0)
    score = h @ W2 + b2
    return score

if __name__ == "__main__":
    import jax
    _d = setup_inputs()
    print(jax.jit(kernel)(*tuple(_d.values())))

</pallas_src>

<mosaic_0001>
#map = affine_map<(d0, d1) -> (0, 0)>
#map1 = affine_map<(d0, d1) -> (0)>
module attributes {stable_mosaic.version = 14 : i64} {
  func.func @k(%arg0: i32, %arg1: i32, %arg2: memref<10000x128xf32, #tpu.memory_space<hbm>>, %arg3: memref<10000x128xf32, #tpu.memory_space<hbm>>, %arg4: memref<323584xi32, #tpu.memory_space<hbm>>, %arg5: memref<323584xi32, #tpu.memory_space<hbm>>, %arg6: memref<323584x128xf32, #tpu.memory_space<hbm>>, %arg7: memref<323584x128xf32, #tpu.memory_space<hbm>>, %arg8: memref<128xi32, #tpu.memory_space<vmem>>, %arg9: memref<128xi32, #tpu.memory_space<vmem>>, %arg10: memref<128x128xf32, #tpu.memory_space<vmem>>, %arg11: memref<128x128xf32, #tpu.memory_space<vmem>>, %arg12: memref<!tpu.dma_semaphore, #tpu.memory_space<semaphore_mem>>, %arg13: memref<!tpu.dma_semaphore, #tpu.memory_space<semaphore_mem>>) attributes {dimension_semantics = [#tpu.dimension_semantics<core_parallel>, #tpu.dimension_semantics<subcore_parallel>], iteration_bounds = array<i64: 2, 16>, scalar_prefetch = 0 : i64, scratch_operands = 6 : i64, tpu.core_type = #tpu.core_type<sc_vector_subcore>, window_params = [{transform_indices = #map}, {transform_indices = #map}, {transform_indices = #map1}, {transform_indices = #map1}, {transform_indices = #map}, {transform_indices = #map}]} {
    %mul3A = arith.constant 2 : i32
    %mul3A_0 = arith.muli %arg1, %mul3A : i32
    %add3A = arith.addi %mul3A_0, %arg0 : i32
    %mul3A_1 = arith.constant 10112 : i32
    %mul3A_2 = arith.muli %add3A, %mul3A_1 : i32
    %scan3A = arith.constant 0 : i32
    %scan3A_3 = arith.constant 0 : i32
    %scan3A_4 = arith.constant 79 : i32
    %scan3A_5 = arith.addi %scan3A_3, %scan3A_4 : i32
    %scan3A_6 = arith.constant 1 : i32
    scf.for %scan3A_8 = %scan3A_3 to %scan3A_5 step %scan3A_6  : i32 {
      %mul3A_9 = arith.constant 128 : i32
      %mul3A_10 = arith.muli %scan3A_8, %mul3A_9 : i32
      %add3A_11 = arith.addi %mul3A_2, %mul3A_10 : i32
      "tpu.region"() ({
        %run_scoped3A = tpu.sem_alloc : memref<!tpu.dma_semaphore, #tpu.memory_space<semaphore_mem>>
        %dma_start3A_22 = tpu.memref_slice %arg4[%add3A_11] : memref<323584xi32, #tpu.memory_space<hbm>> -> memref<128xi32, #tpu.memory_space<hbm>>
        %dma_start3A_23 = tpu.memref_slice %arg4[%add3A_11] : memref<323584xi32, #tpu.memory_space<hbm>> -> memref<128xi32, #tpu.memory_space<hbm>>
        tpu.enqueue_dma source(%dma_start3A_23 : memref<128xi32, #tpu.memory_space<hbm>>) target(%arg8 : memref<128xi32, #tpu.memory_space<vmem>>) target_semaphore(%run_scoped3A : memref<!tpu.dma_semaphore, #tpu.memory_space<semaphore_mem>>)
        %dma_wait3A_24 = tpu.memref_slice %arg4[%add3A_11] : memref<323584xi32, #tpu.memory_space<hbm>> -> memref<128xi32, #tpu.memory_space<hbm>>
        %dma_wait3A_25 = tpu.memref_slice %arg4[%add3A_11] : memref<323584xi32, #tpu.memory_space<hbm>> -> memref<128xi32, #tpu.memory_space<hbm>>
        tpu.wait_dma2 semaphore(%run_scoped3A : memref<!tpu.dma_semaphore, #tpu.memory_space<semaphore_mem>>) src(%dma_wait3A_25 : memref<128xi32, #tpu.memory_space<hbm>>) dst(%arg8 : memref<128xi32, #tpu.memory_space<vmem>>)
        tpu.yield
      }) : () -> ()
      "tpu.region"() ({
        %run_scoped3A = tpu.sem_alloc : memref<!tpu.dma_semaphore, #tpu.memory_space<semaphore_mem>>
        %dma_start3A_22 = tpu.memref_slice %arg5[%add3A_11] : memref<323584xi32, #tpu.memory_space<hbm>> -> memref<128xi32, #tpu.memory_space<hbm>>
        %dma_start3A_23 = tpu.memref_slice %arg5[%add3A_11] : memref<323584xi32, #tpu.memory_space<hbm>> -> memref<128xi32, #tpu.memory_space<hbm>>
        tpu.enqueue_dma source(%dma_start3A_23 : memref<128xi32, #tpu.memory_space<hbm>>) target(%arg9 : memref<128xi32, #tpu.memory_space<vmem>>) target_semaphore(%run_scoped3A : memref<!tpu.dma_semaphore, #tpu.memory_space<semaphore_mem>>)
        %dma_wait3A_24 = tpu.memref_slice %arg5[%add3A_11] : memref<323584xi32, #tpu.memory_space<hbm>> -> memref<128xi32, #tpu.memory_space<hbm>>
        %dma_wait3A_25 = tpu.memref_slice %arg5[%add3A_11] : memref<323584xi32, #tpu.memory_space<hbm>> -> memref<128xi32, #tpu.memory_space<hbm>>
        tpu.wait_dma2 semaphore(%run_scoped3A : memref<!tpu.dma_semaphore, #tpu.memory_space<semaphore_mem>>) src(%dma_wait3A_25 : memref<128xi32, #tpu.memory_space<hbm>>) dst(%arg9 : memref<128xi32, #tpu.memory_space<vmem>>)
        tpu.yield
      }) : () -> ()
      %dma_start3A = arith.constant 0 : i32
      %dma_start3A_12 = arith.constant 0 : i32
      %dma_start3A_13 = tpu.memref_slice %arg2[%dma_start3A, %dma_start3A_12] : memref<10000x128xf32, #tpu.memory_space<hbm>> -> memref<10000x128xf32, #tpu.memory_space<hbm>>
      tpu.enqueue_indirect_dma source(%dma_start3A_13 : memref<10000x128xf32, #tpu.memory_space<hbm>>) target(%arg10 : memref<128x128xf32, #tpu.memory_space<vmem>>) offsets(%arg8 : memref<128xi32, #tpu.memory_space<vmem>>) semaphore(%arg12 : memref<!tpu.dma_semaphore, #tpu.memory_space<semaphore_mem>>)
      %dma_start3A_14 = arith.constant 0 : i32
      %dma_start3A_15 = arith.constant 0 : i32
      %dma_start3A_16 = tpu.memref_slice %arg3[%dma_start3A_14, %dma_start3A_15] : memref<10000x128xf32, #tpu.memory_space<hbm>> -> memref<10000x128xf32, #tpu.memory_space<hbm>>
      tpu.enqueue_indirect_dma source(%dma_start3A_16 : memref<10000x128xf32, #tpu.memory_space<hbm>>) target(%arg11 : memref<128x128xf32, #tpu.memory_space<vmem>>) offsets(%arg9 : memref<128xi32, #tpu.memory_space<vmem>>) semaphore(%arg13 : memref<!tpu.dma_semaphore, #tpu.memory_space<semaphore_mem>>)
      %dma_wait3A = arith.constant 0 : i32
      %dma_wait3A_17 = arith.constant 0 : i32
      %dma_wait3A_18 = tpu.memref_slice %arg2[%dma_wait3A, %dma_wait3A_17] : memref<10000x128xf32, #tpu.memory_space<hbm>> -> memref<10000x128xf32, #tpu.memory_space<hbm>>
      tpu.wait_indirect_dma semaphore(%arg12 : memref<!tpu.dma_semaphore, #tpu.memory_space<semaphore_mem>>) src(%dma_wait3A_18 : memref<10000x128xf32, #tpu.memory_space<hbm>>) dst(%arg10 : memref<128x128xf32, #tpu.memory_space<vmem>>)
      %dma_wait3A_19 = arith.constant 0 : i32
      %dma_wait3A_20 = arith.constant 0 : i32
      %dma_wait3A_21 = tpu.memref_slice %arg3[%dma_wait3A_19, %dma_wait3A_20] : memref<10000x128xf32, #tpu.memory_space<hbm>> -> memref<10000x128xf32, #tpu.memory_space<hbm>>
      tpu.wait_indirect_dma semaphore(%arg13 : memref<!tpu.dma_semaphore, #tpu.memory_space<semaphore_mem>>) src(%dma_wait3A_21 : memref<10000x128xf32, #tpu.memory_space<hbm>>) dst(%arg11 : memref<128x128xf32, #tpu.memory_space<vmem>>)
      "tpu.region"() ({
        %run_scoped3A = tpu.sem_alloc : memref<!tpu.dma_semaphore, #tpu.memory_space<semaphore_mem>>
        %dma_start3A_22 = arith.constant 0 : i32
        %dma_start3A_23 = tpu.memref_slice %arg6[%add3A_11, %dma_start3A_22] : memref<323584x128xf32, #tpu.memory_space<hbm>> -> memref<128x128xf32, #tpu.memory_space<hbm>>
        %dma_start3A_24 = arith.constant 0 : i32
        %dma_start3A_25 = tpu.memref_slice %arg6[%add3A_11, %dma_start3A_24] : memref<323584x128xf32, #tpu.memory_space<hbm>> -> memref<128x128xf32, #tpu.memory_space<hbm>>
        tpu.enqueue_dma source(%arg10 : memref<128x128xf32, #tpu.memory_space<vmem>>) target(%dma_start3A_25 : memref<128x128xf32, #tpu.memory_space<hbm>>) target_semaphore(%run_scoped3A : memref<!tpu.dma_semaphore, #tpu.memory_space<semaphore_mem>>)
        %dma_wait3A_26 = arith.constant 0 : i32
        %dma_wait3A_27 = tpu.memref_slice %arg6[%add3A_11, %dma_wait3A_26] : memref<323584x128xf32, #tpu.memory_space<hbm>> -> memref<128x128xf32, #tpu.memory_space<hbm>>
        %dma_wait3A_28 = arith.constant 0 : i32
        %dma_wait3A_29 = tpu.memref_slice %arg6[%add3A_11, %dma_wait3A_28] : memref<323584x128xf32, #tpu.memory_space<hbm>> -> memref<128x128xf32, #tpu.memory_space<hbm>>
        tpu.wait_dma2 semaphore(%run_scoped3A : memref<!tpu.dma_semaphore, #tpu.memory_space<semaphore_mem>>) src(%arg10 : memref<128x128xf32, #tpu.memory_space<vmem>>) dst(%dma_wait3A_29 : memref<128x128xf32, #tpu.memory_space<hbm>>)
        tpu.yield
      }) : () -> ()
      "tpu.region"() ({
        %run_scoped3A = tpu.sem_alloc : memref<!tpu.dma_semaphore, #tpu.memory_space<semaphore_mem>>
        %dma_start3A_22 = arith.constant 0 : i32
        %dma_start3A_23 = tpu.memref_slice %arg7[%add3A_11, %dma_start3A_22] : memref<323584x128xf32, #tpu.memory_space<hbm>> -> memref<128x128xf32, #tpu.memory_space<hbm>>
        %dma_start3A_24 = arith.constant 0 : i32
        %dma_start3A_25 = tpu.memref_slice %arg7[%add3A_11, %dma_start3A_24] : memref<323584x128xf32, #tpu.memory_space<hbm>> -> memref<128x128xf32, #tpu.memory_space<hbm>>
        tpu.enqueue_dma source(%arg11 : memref<128x128xf32, #tpu.memory_space<vmem>>) target(%dma_start3A_25 : memref<128x128xf32, #tpu.memory_space<hbm>>) target_semaphore(%run_scoped3A : memref<!tpu.dma_semaphore, #tpu.memory_space<semaphore_mem>>)
        %dma_wait3A_26 = arith.constant 0 : i32
        %dma_wait3A_27 = tpu.memref_slice %arg7[%add3A_11, %dma_wait3A_26] : memref<323584x128xf32, #tpu.memory_space<hbm>> -> memref<128x128xf32, #tpu.memory_space<hbm>>
        %dma_wait3A_28 = arith.constant 0 : i32
        %dma_wait3A_29 = tpu.memref_slice %arg7[%add3A_11, %dma_wait3A_28] : memref<323584x128xf32, #tpu.memory_space<hbm>> -> memref<128x128xf32, #tpu.memory_space<hbm>>
        tpu.wait_dma2 semaphore(%run_scoped3A : memref<!tpu.dma_semaphore, #tpu.memory_space<semaphore_mem>>) src(%arg11 : memref<128x128xf32, #tpu.memory_space<vmem>>) dst(%dma_wait3A_29 : memref<128x128xf32, #tpu.memory_space<hbm>>)
        tpu.yield
      }) : () -> ()
    }
    %scan3A_7 = arith.constant 79 : i32
    return
  }
}

module attributes {stable_mosaic.version = 14 : i64} {
  func.func @_tables_body(%arg0: i32, %arg1: memref<1000x128xf32, #tpu.memory_space<vmem>>, %arg2: memref<1000x128xf32, #tpu.memory_space<vmem>>, %arg3: memref<1000x128xf32, #tpu.memory_space<vmem>>, %arg4: memref<128x128xf32, #tpu.memory_space<vmem>>, %arg5: memref<1x128xf32, #tpu.memory_space<vmem>>, %arg6: memref<1000x128xf32, #tpu.memory_space<vmem>>, %arg7: memref<1000x128xf32, #tpu.memory_space<vmem>>) attributes {dimension_semantics = [#tpu.dimension_semantics<arbitrary>], iteration_bounds = array<i64: 10>, scalar_prefetch = 0 : i64, scratch_operands = 0 : i64, tpu.core_type = #tpu.core_type<tc>, window_params = [{transform_indices = @transform_0, window_bounds = array<i64: 1000, 128>}, {transform_indices = @transform_1, window_bounds = array<i64: 1000, 128>}, {transform_indices = @transform_2, window_bounds = array<i64: 1000, 128>}, {pipeline_mode = #tpu.pipeline_mode<synchronous>, transform_indices = @transform_3, window_bounds = array<i64: 128, 128>}, {pipeline_mode = #tpu.pipeline_mode<synchronous>, transform_indices = @transform_4, window_bounds = array<i64: 1, 128>}, {transform_indices = @transform_5, window_bounds = array<i64: 1000, 128>}, {transform_indices = @transform_6, window_bounds = array<i64: 1000, 128>}]} {
    %get3A = arith.constant 0 : index
    %get3A_0 = arith.constant 0 : index
    %get3A_1 = vector.load %arg1[%get3A, %get3A_0] : memref<1000x128xf32, #tpu.memory_space<vmem>>, vector<1000x128xf32>
    %get3A_2 = arith.constant 0 : index
    %get3A_3 = arith.constant 0 : index
    %get3A_4 = vector.load %arg2[%get3A_2, %get3A_3] : memref<1000x128xf32, #tpu.memory_space<vmem>>, vector<1000x128xf32>
    %add3A = arith.addf %get3A_1, %get3A_4 : vector<1000x128xf32>
    %get3A_5 = arith.constant 0 : index
    %get3A_6 = arith.constant 0 : index
    %get3A_7 = vector.load %arg4[%get3A_5, %get3A_6] : memref<128x128xf32, #tpu.memory_space<vmem>>, vector<128x128xf32>
    %dot_general3A = arith.constant dense<0.000000e+00> : vector<1000x128xf32>
    %dot_general3A_8 = tpu.matmul %add3A, %get3A_7, %dot_general3A {dimension_numbers = #tpu.dot_dimension_numbers<[1], [0], [0], [1], [0, 0, 1, 1], [], []>, transpose_lhs_hint = false} : vector<1000x128xf32>, vector<128x128xf32>, vector<1000x128xf32> -> vector<1000x128xf32>
    %get3A_9 = arith.constant 0 : index
    %get3A_10 = arith.constant 0 : index
    %get3A_11 = vector.load %arg5[%get3A_9, %get3A_10] : memref<1x128xf32, #tpu.memory_space<vmem>>, vector<1x128xf32>
    %add3A_12 = vector.broadcast %get3A_11 : vector<1x128xf32> to vector<1000x128xf32>
    %add3A_13 = arith.addf %dot_general3A_8, %add3A_12 : vector<1000x128xf32>
    %swap3A = arith.constant 0 : index
    %swap3A_14 = arith.constant 0 : index
    %swap3A_15 = vector.load %arg6[%swap3A, %swap3A_14] : memref<1000x128xf32, #tpu.memory_space<vmem>>, vector<1000x128xf32>
    tpu.vector_store %arg6[%swap3A, %swap3A_14], %add3A_13 {strides = array<i32>} : memref<1000x128xf32, #tpu.memory_space<vmem>>, vector<1000x128xf32>,
    %get3A_16 = arith.constant 0 : index
    %get3A_17 = arith.constant 0 : index
    %get3A_18 = vector.load %arg3[%get3A_16, %get3A_17] : memref<1000x128xf32, #tpu.memory_space<vmem>>, vector<1000x128xf32>
    %dot_general3A_19 = arith.constant dense<0.000000e+00> : vector<1000x128xf32>
    %dot_general3A_20 = tpu.matmul %get3A_18, %get3A_7, %dot_general3A_19 {dimension_numbers = #tpu.dot_dimension_numbers<[1], [0], [0], [1], [0, 0, 1, 1], [], []>, transpose_lhs_hint = false} : vector<1000x128xf32>, vector<128x128xf32>, vector<1000x128xf32> -> vector<1000x128xf32>
    %swap3A_21 = arith.constant 0 : index
    %swap3A_22 = arith.constant 0 : index
    %swap3A_23 = vector.load %arg7[%swap3A_21, %swap3A_22] : memref<1000x128xf32, #tpu.memory_space<vmem>>, vector<1000x128xf32>
    tpu.vector_store %arg7[%swap3A_21, %swap3A_22], %dot_general3A_20 {strides = array<i32>} : memref<1000x128xf32, #tpu.memory_space<vmem>>, vector<1000x128xf32>,
    return
  }
  func.func @transform_0(%arg0: i32) -> (i32, i32) {
    %c0_i32 = arith.constant 0 : i32
    %c0_i32_0 = arith.constant 0 : i32
    return %arg0, %c0_i32 : i32, i32
  }
  func.func @transform_1(%arg0: i32) -> (i32, i32) {
    %c0_i32 = arith.constant 0 : i32
    %c0_i32_0 = arith.constant 0 : i32
    return %arg0, %c0_i32 : i32, i32
  }
  func.func @transform_2(%arg0: i32) -> (i32, i32) {
    %c0_i32 = arith.constant 0 : i32
    %c0_i32_0 = arith.constant 0 : i32
    return %arg0, %c0_i32 : i32, i32
  }
  func.func @transform_3(%arg0: i32) -> (i32, i32) {
    %c0_i32 = arith.constant 0 : i32
    %c0_i32_0 = arith.constant 0 : i32
    %c0_i32_1 = arith.constant 0 : i32
    return %c0_i32, %c0_i32_0 : i32, i32
  }
  func.func @transform_4(%arg0: i32) -> (i32, i32) {
    %c0_i32 = arith.constant 0 : i32
    %c0_i32_0 = arith.constant 0 : i32
    %c0_i32_1 = arith.constant 0 : i32
    return %c0_i32, %c0_i32_0 : i32, i32
  }
  func.func @transform_5(%arg0: i32) -> (i32, i32) {
    %c0_i32 = arith.constant 0 : i32
    %c0_i32_0 = arith.constant 0 : i32
    return %arg0, %c0_i32 : i32, i32
  }
  func.func @transform_6(%arg0: i32) -> (i32, i32) {
    %c0_i32 = arith.constant 0 : i32
    %c0_i32_0 = arith.constant 0 : i32
    return %arg0, %c0_i32 : i32, i32
  }
}

module attributes {stable_mosaic.version = 14 : i64} {
  func.func @_score_body(%arg0: i32, %arg1: memref<2048x128xf32, #tpu.memory_space<vmem>>, %arg2: memref<2048x128xf32, #tpu.memory_space<vmem>>, %arg3: memref<128x1xf32, #tpu.memory_space<vmem>>, %arg4: memref<1x1xf32, #tpu.memory_space<vmem>>, %arg5: memref<2048x1xf32, #tpu.memory_space<vmem>>) attributes {dimension_semantics = [#tpu.dimension_semantics<arbitrary>], iteration_bounds = array<i64: 158>, scalar_prefetch = 0 : i64, scratch_operands = 0 : i64, tpu.core_type = #tpu.core_type<tc>, window_params = [{transform_indices = @transform_0, window_bounds = array<i64: 2048, 128>}, {transform_indices = @transform_1, window_bounds = array<i64: 2048, 128>}, {pipeline_mode = #tpu.pipeline_mode<synchronous>, transform_indices = @transform_2, window_bounds = array<i64: 128, 1>}, {pipeline_mode = #tpu.pipeline_mode<synchronous>, transform_indices = @transform_3, window_bounds = array<i64: 1, 1>}, {transform_indices = @transform_4, window_bounds = array<i64: 2048, 1>}]} {
    %get3A = arith.constant 0 : index
    %get3A_0 = arith.constant 0 : index
    %get3A_1 = vector.load %arg1[%get3A, %get3A_0] : memref<2048x128xf32, #tpu.memory_space<vmem>>, vector<2048x128xf32>
    %get3A_2 = arith.constant 0 : index
    %get3A_3 = arith.constant 0 : index
    %get3A_4 = vector.load %arg2[%get3A_2, %get3A_3] : memref<2048x128xf32, #tpu.memory_space<vmem>>, vector<2048x128xf32>
    %sub3A = arith.subf %get3A_1, %get3A_4 : vector<2048x128xf32>
    %max3A = arith.constant 0.000000e+00 : f32
    %max3A_5 = vector.broadcast %max3A : f32 to vector<2048x128xf32>
    %max3A_6 = arith.maximumf %sub3A, %max3A_5 : vector<2048x128xf32>
    %get3A_7 = arith.constant 0 : index
    %get3A_8 = arith.constant 0 : index
    %get3A_9 = vector.load %arg3[%get3A_7, %get3A_8] : memref<128x1xf32, #tpu.memory_space<vmem>>, vector<128x1xf32>
    %dot_general3A = arith.constant dense<0.000000e+00> : vector<2048x1xf32>
    %dot_general3A_10 = tpu.matmul %max3A_6, %get3A_9, %dot_general3A {dimension_numbers = #tpu.dot_dimension_numbers<[1], [0], [0], [1], [0, 0, 1, 1], [], []>, transpose_lhs_hint = false} : vector<2048x128xf32>, vector<128x1xf32>, vector<2048x1xf32> -> vector<2048x1xf32>
    %get3A_11 = arith.constant 0 : index
    %get3A_12 = arith.constant 0 : index
    %get3A_13 = vector.load %arg4[%get3A_11, %get3A_12] : memref<1x1xf32, #tpu.memory_space<vmem>>, vector<1x1xf32>
    %add3A = vector.broadcast %get3A_13 : vector<1x1xf32> to vector<2048x1xf32>
    %add3A_14 = arith.addf %dot_general3A_10, %add3A : vector<2048x1xf32>
    %swap3A = arith.constant 0 : index
    %swap3A_15 = arith.constant 0 : index
    %swap3A_16 = vector.load %arg5[%swap3A, %swap3A_15] : memref<2048x1xf32, #tpu.memory_space<vmem>>, vector<2048x1xf32>
    tpu.vector_store %arg5[%swap3A, %swap3A_15], %add3A_14 {strides = array<i32>} : memref<2048x1xf32, #tpu.memory_space<vmem>>, vector<2048x1xf32>,
    return
  }
  func.func @transform_0(%arg0: i32) -> (i32, i32) {
    %c0_i32 = arith.constant 0 : i32
    %c0_i32_0 = arith.constant 0 : i32
    return %arg0, %c0_i32 : i32, i32
  }
  func.func @transform_1(%arg0: i32) -> (i32, i32) {
    %c0_i32 = arith.constant 0 : i32
    %c0_i32_0 = arith.constant 0 : i32
    return %arg0, %c0_i32 : i32, i32
  }
  func.func @transform_2(%arg0: i32) -> (i32, i32) {
    %c0_i32 = arith.constant 0 : i32
    %c0_i32_0 = arith.constant 0 : i32
    %c0_i32_1 = arith.constant 0 : i32
    return %c0_i32, %c0_i32_0 : i32, i32
  }
  func.func @transform_3(%arg0: i32) -> (i32, i32) {
    %c0_i32 = arith.constant 0 : i32
    %c0_i32_0 = arith.constant 0 : i32
    %c0_i32_1 = arith.constant 0 : i32
    return %c0_i32, %c0_i32_0 : i32, i32
  }
  func.func @transform_4(%arg0: i32) -> (i32, i32) {
    %c0_i32 = arith.constant 0 : i32
    %c0_i32_0 = arith.constant 0 : i32
    return %arg0, %c0_i32 : i32, i32
  }
}

</mosaic_0001>

<sc_bundles>
// kernel: kernel.5.cloned.1.call-start
scs
__scs_entry_jumppad:
0x0: {  	(pc) =	sbr.rel $0x88, $3  }
0x1: {  	(tag) =	ssettag $0x0;
	lr =	simm.s32 $0x1  }
0x2: {  	[smem:$0x3F99] =	sst lr;
	_ =	strace $0xD0000000  }
0x3: {  	_ = 	snop  }
0x4: {  	_ = 	snop  }
0x5: {  	_ = 	snop  }
0x6: {  	_ = 	snop  }
0x7: {  	_ = 	snop  }
__scs_overlays_trampoline_lowered:
0x8: {  	[smem:$0x3FA8] =	sst s0  }
0x9: {  	[smem:$0x3FA9] =	sst s1  }
0xa: {  	[smem:$0x3FAA] =	sst s2  }
0xb: {  	[smem:$0x3FAB] =	sst s3  }
0xc: {  	[smem:$0x3FAC] =	sst s4  }
0xd: {  	[smem:$0x3FAD] =	sst s5  }
0xe: {  	[smem:$0x3FAE] =	sst s6  }
0xf: {  	[smem:$0x3FAF] =	sst s7  }
0x10: {  	[smem:$0x3FB0] =	sst s8  }
0x11: {  	[smem:$0x3FB1] =	sst s9;
	s0 =	simm.s32 @!p0 $0x0  }
0x12: {  	s1 =	sld [smem:$0x3F97];
	s0 =	simm.s32 @p0 $0x1  }
0x13: {  	[smem:$0x3FB2] =	sst s0;
	s0 =	simm.s32 @!p1 $0x0  }
0x14: {  	s2 =	sld [smem:$0x3F96];
	s0 =	simm.s32 @p1 $0x1  }
0x15: {  	[smem:$0x3FB3] =	sst s0;
	s0 =	simm.s32 @!p2 $0x0  }
0x16: {  	s3 =	sld [smem:$0x3FDB];
	s0 =	simm.s32 @p2 $0x1  }
0x17: {  	s4 =	simm.s32 $0x1BF5;
	[smem:$0x3FB5] =	sst s0  }
0x18: {  	s0 =	sld [smem:$0x3F98];
	_ =	swait.ge [sflag:s4], $0x0  }
0x19: {  	s7 =	sld [smem:$0x3F99]  }
0x1a: {  	s8 =	sadd.s32 $0xFFFFE003, lr  }
0x1b: {  	s9 =	sadd.s32 $0xFFFFFEF7, lr;
	s5 =	simm.s32 $0xFFFFFFFF;
	p2 =	slt.u32 s8, $0xFFFFF086  }
0x1c: {  	p1 =	slt.u32 s9, $0xF7A;
	s5 =	simm.s32 @!p2 $0x0  }
0x1d: {  	s5 =	simm.s32 @p1 $0x1;
	p0 =	seq.s32 s7, s2  }
0x1e: {  	s7 =	smul.u32 @!p0 $0xF7A, s2;
	p2 =	seq.s32 @!p0 s5, $0x0  }
0x1f: {  	s9 =	smul.u32 $0xF7A, s1;
	s8 =	simm.s32 @!p0 $0x1BF5;
	p2 =	por !p2, p0  }
0x20: {  	[sflag:s8] =	ssyncset.s32 @!p0 $0xFFFFF086;
	s6 =	sadd.s32 @!p0 s3, s7;
	s7 =	simm.s32 @!p0 $0x108  }
0x21: {  	s3 =	sadd.s32 s3, s9;
	s6 =	sadd.s32 @!p0 $0x88, s6;
	s7 =	simm.s32 @p2 $0x1082  }
0x22: {  	[simem:s7], [sflag:s8] =	dma.local @!p0 [hbm:s6], $0xF7A  }
0x23: {  	s9 =	sor.u32 $0xD0000000, s2;
	s6 =	simm.s32 $0x108;
	_ =	swait.ge @!p0 [sflag:s8], $0x0  }
0x24: {  	s3 =	sadd.s32 $0x88, s3;
	s6 =	simm.s32 @!p1 $0x1082;
	[sflag:s4] =	ssyncset.s32 $0xFFFFF086  }
0x25: {  	[simem:s6], [sflag:s4] =	dma.local [hbm:s3], $0xF7A  }
0x26: {  	[smem:$0x3F99] =	sst s1;
	(tag) =	ssettag s2;
	_ =	strace s9  }
0x27: {  	s1 =	sld [smem:$0x3FA9]  }
0x28: {  	s2 =	sld [smem:$0x3FAA]  }
0x29: {  	s4 =	sld [smem:$0x3FAC]  }
0x2a: {  	p0 =	seq.s32 s5, $0x0;
	s5 =	sld [smem:$0x3FAD]  }
0x2b: {  	s6 =	sld [smem:$0x3FAE]  }
0x2c: {  	s7 =	sld [smem:$0x3FAF]  }
0x2d: {  	s3 =	simm.s32 $0x108;
	s8 =	sld [smem:$0x3FB0]  }
0x2e: {  	s3 =	simm.s32 @!p0 $0x1082;
	s9 =	sld [smem:$0x3FB1]  }
0x2f: {  	lr =	sadd.s32 s0, s3;
	s0 =	sld [smem:$0x3FA8]  }
0x30: {  	s3 =	sld [smem:$0x3FAB]  }
0x31: {  	[smem:$0x3FB4] =	sst s10  }
0x32: {  	s10 =	sld [smem:$0x3FB2];
	_ =	sdelay $0x3  }
0x33: {  	p0 =	seq.s32 s10, $0x1;
	s10 =	sld [smem:$0x3FB4];
	_ =	sdelay $0x3  }
0x34: {  	[smem:$0x3FB4] =	sst s10  }
0x35: {  	s10 =	sld [smem:$0x3FB3];
	_ =	sdelay $0x3  }
0x36: {  	p1 =	seq.s32 s10, $0x1;
	s10 =	sld [smem:$0x3FB4];
	_ =	sdelay $0x3  }
0x37: {  	[smem:$0x3FB4] =	sst s10  }
0x38: {  	s10 =	sld [smem:$0x3FB5]  }
0x39: {  	_ = 	snop;
	(pc) =	sbr.ind lr, $3  }
0x3a: {  	_ = 	snop  }
0x3b: {  	_ = 	snop  }
0x3c: {  	p2 =	seq.s32 s10, $0x1;
	s10 =	sld [smem:$0x3FB4]  }
0x3d: {  	_ =	shalt  }
0x3e: {  	_ =	shalt  }
0x3f: {  	_ =	shalt  }
0x40: {  	_ =	shalt  }
0x41: {  	_ =	shalt  }
0x42: {  	_ =	shalt  }
0x43: {  	_ =	shalt  }
0x44: {  	_ =	shalt  }
0x45: {  	_ =	shalt  }
0x46: {  	_ =	shalt  }
0x47: {  	_ =	shalt  }
0x48: {  	_ =	shalt  }
0x49: {  	_ =	shalt  }
0x4a: {  	_ =	shalt  }
0x4b: {  	_ =	shalt  }
0x4c: {  	_ =	shalt  }
0x4d: {  	_ =	shalt  }
0x4e: {  	_ =	shalt  }
0x4f: {  	_ =	shalt  }
0x50: {  	_ =	shalt  }
0x51: {  	_ =	shalt  }
0x52: {  	_ =	shalt  }
0x53: {  	_ =	shalt  }
0x54: {  	_ =	shalt  }
0x55: {  	_ =	shalt  }
0x56: {  	_ =	shalt  }
0x57: {  	_ =	shalt  }
0x58: {  	_ =	shalt  }
0x59: {  	_ =	shalt  }
0x5a: {  	_ =	shalt  }
0x5b: {  	_ =	shalt  }
0x5c: {  	_ =	shalt  }
0x5d: {  	_ =	shalt  }
0x5e: {  	_ =	shalt  }
0x5f: {  	_ =	shalt  }
0x60: {  	_ =	shalt  }
0x61: {  	_ =	shalt  }
0x62: {  	_ =	shalt  }
0x63: {  	_ =	shalt  }
0x64: {  	_ =	shalt  }
0x65: {  	_ =	shalt  }
0x66: {  	_ =	shalt  }
0x67: {  	_ =	shalt  }
0x68: {  	_ =	shalt  }
0x69: {  	_ =	shalt  }
0x6a: {  	_ =	shalt  }
0x6b: {  	_ =	shalt  }
0x6c: {  	_ =	shalt  }
0x6d: {  	_ =	shalt  }
0x6e: {  	_ =	shalt  }
0x6f: {  	_ =	shalt  }
0x70: {  	_ =	shalt  }
0x71: {  	_ =	shalt  }
0x72: {  	_ =	shalt  }
0x73: {  	_ =	shalt  }
0x74: {  	_ =	shalt  }
0x75: {  	_ =	shalt  }
0x76: {  	_ =	shalt  }
0x77: {  	_ =	shalt  }
0x78: {  	_ =	shalt  }
0x79: {  	_ =	shalt  }
0x7a: {  	_ =	shalt  }
0x7b: {  	_ =	shalt  }
0x7c: {  	_ =	shalt  }
0x7d: {  	_ =	shalt  }
0x7e: {  	_ =	shalt  }
0x7f: {  	_ =	shalt  }
0x80: {  	_ =	shalt  }
0x81: {  	_ =	shalt  }
0x82: {  	_ =	shalt  }
0x83: {  	_ =	shalt  }
0x84: {  	_ =	shalt  }
0x85: {  	_ =	shalt  }
0x86: {  	_ =	shalt  }
0x87: {  	_ =	shalt  }
.Lfunc_end0:
.L_simem_size_0:
called_computation_lowered:
.L_overlay_start_0:
0x88: {  	s2 =	sld [smem:$0x3FD9]  }
0x89: {  	s3 =	sld [smem:$0x3FFE];
	_ =	sdelay $0x1  }
0x8a: {  	s1 =	srdreg.scid  }
0x8b: {  	s0 =	sand.u32 $0x1, s1  }
0x8c: {  	s16 =	sshll.u32 s0, $0xA;
	s2 =	sadd.s32 s3, s2  }
0x8d: {  	s2 =	sadd.s32 s2, s16  }
0x8e: {  	[smem:$0x3FC0] =	sst s2  }
0x8f: {  	_ = 	snop  }
0x90: {  	(tm) =	ssettm $0x1  }
0x91: {  	s17 =	sld [smem:$0x3FFB];
	_ =	sdelay $0x3  }
0x92: {  	_ =	strace s17  }
0x93: {  	s2 =	sld [smem:$0x3FFC];
	_ =	sdelay $0x3  }
0x94: {  	_ =	strace s2  }
0x95: {  	s2 =	sld [smem:$0x3FFD];
	_ =	sdelay $0x3  }
0x96: {  	_ =	strace s2  }
0x97: {  	_ =	strace $0x8FFFFFFF  }
0x98: {  	s18 =	sld [smem:$0x3FDB];
	_ =	sdelay $0x1  }
0x99: {  	s19 =	simm.s32 $_scs_section_size  }
0x9a: {  	s4 =	simm.s32 $_size__tile_overlayer_lowered;
	s5 =	simm.s32 $_tile_overlayer_lowered  }
0x9b: {  	s22 =	simm.s32 $0x1BFF;
	s21 =	sshll.u32 s5, $0x1;
	s2 =	sadd.s32 s19, s18  }
0x9c: {  	s6 =	simm.s32 $0x0;
	s20 =	sshll.u32 s4, $0x1;
	s4 =	sadd.s32 s21, s2  }
0x9d: {  	[timem:s6], [sflag:s22] =	dma.local [hbm:s4], s20  }
0x9e: {  	_ =	swait.ge [sflag:s22], s20  }
0x9f: {  	s3 =	ssub.s32 $0x0, s20;
	[sflag:s22] =	ssyncset.done $0x0  }
0xa0: {  	[sflag:s22] =	ssyncadd.s32 s3;
	_ =	sdelay $0x1  }
0xa1: {  	s23 =	simm.s32 $0x1B8B  }
0xa2: {  	_ =	swait.ge [sflag:s23], $0x1  }
0xa3: {  	[sflag:s23] =	ssyncset.done $0x0  }
0xa4: {  	s25 =	simm.s32 $0x1B8E;
	s24 =	sld [smem:$0x3FFE];
	[sflag:s23] =	ssyncadd.s32 $0xFFFFFFFF  }
0xa5: {  	s26 =	simm.s32 $execute0_lowered;
	[smem:$0x3FD2] =	sst s25  }
0xa6: {  	s4 =	sshll.u32 s26, $0x1;
	_ =	strace $0x80000046;
	[dreg:$0x1] =	wrdreg $0xFFFFFFFF  }
0xa7: {  	s28 =	simm.s32 $_size_execute0_lowered;
	s2 =	sadd.s32 s2, s4;
	[dreg:$0x0] =	wrdreg $0x0  }
0xa8: {  	s4 =	sshll.u32 s28, $0x1;
	[dreg:$0x2] =	wrdreg s2  }
0xa9: {  	[dreg:$0x3] =	wrdreg s4  }
0xaa: {  	[dreg:$0x4] =	wrdreg $0xC0  }
0xab: {  	_ =	task [dreg:s6], $0x5FFFF  }
0xac: {  	[dreg:$0x1] =	wrdreg $0xFFFFFFFF  }
0xad: {  	[dreg:$0x0] =	wrdreg $0x60  }
0xae: {  	[dreg:$0x2] =	wrdreg s24  }
0xaf: {  	[dreg:$0x3] =	wrdreg $0x9  }
0xb0: {  	_ =	task.clear_ibuf [dreg:s6], $0x4FFFF;
	_ =	strace $0x90000046  }
0xb1: {  	s29 =	simm.s32 $0x9;
	_ =	strace $0x80000048  }
0xb2: {  	_ =	swait.ge [sflag:s29], $0x1  }
0xb3: {  	[sflag:s29] =	ssyncadd.s32 $0xFFFFFFFF  }
0xb4: {  	_ =	strace $0x90000048  }
0xb5: {  	_ =	sfence  }
0xb6: {  	s30 =	sld [smem:$0x0];
	_ =	sdelay $0x2  }
0xb7: {  	s31 =	sshll.u32 s1, $0xD;
	s1 =	sshrl.u32 s1, $0x2  }
0xb8: {  	s3 =	sand.u32 $0x4000, s31;
	s1 =	sadd.s32 s1, s30  }
0xb9: {  	s0 =	sor.u32 s3, s0;
	s1 =	sshll.u32 s1, $0x11  }
0xba: {  	s0 =	sor.u32 s1, s0  }
0xbb: {  	s0 =	sadd.s32 $0x8F2B, s0  }
0xbc: {  	[sflag:s0] =	ssyncadd.remote.s32 $0x1  }
0xbd: {  	_ =	sfence.sel $0xFFFF  }
0xbe: {  	[dreg:$0x0] =	wrdreg $0xFFFFFFFF;
	(pc) =	sbr.abs _section_cstart, $3  }
0xbf: {  	[dreg:$0x1] =	wrdreg $0xFFFFFFFF  }
0xc0: {  	_ =	task.clear_ibuf [dreg:s6], $0x2FFFF;
	_ =	strace $0x9FFFFFFF  }
0xc1: {  	(tm) =	ssettm $0x7FFFFFFF  }
tec
execute0_lowered:
.L_overlay_start_1:
0x0: {  	(tag) =	ssettag $0x1  }
0x1: {  	s5 =	rddreg [dreg:$0x0]  }
0x2: {  	s0 =	rddreg [dreg:$0x1];
	s2 =	simm.s32 $0x0;
	s3 =	srdreg.scid  }
0x3: {  	s1 =	stileid.u32;
	s12 =	simm.s32 $0x100;
	s13 =	simm.s32 $0x4100  }
0x4: {  	s14 =	simm.s32 $0x1;
	s15 =	simm.s32 $0x2;
	s7 =	smul.u32 $0x4F00, s1  }
0x5: {  	s16 =	simm.s32 $0x0;
	s6 =	sand.u32 $0x1, s3;
	s9 =	smul.u32 $0x4F000, s1  }
0x6: {  	[smem:$0x7FF] =	sst s2;
	s3 =	sadd.s32 $0x14C00, s5;
	s8 =	smul.u32 $0x2780, s6  }
0x7: {  	s4 =	sadd.s32 $0x3BE00, s5;
	s29 =	ssub.s32 $0x2, s6;
	s6 =	smul.u32 $0x27800, s6  }
0x8: {  	_ =	strace $0x80000047;
	s9 =	sadd.s32 s9, s5;
	s10 =	sshrl.u32 s29, $0x1  }
0x9: {  	s7 =	sadd.s32 s8, s7;
	s30 =	ssub.s32 s29, s10;
	s31 =	sadd.s32 s6, s9  }
0xa: {  	s10 =	simm.s32 $0x3;
	s7 =	sshrl.u32 s7, $0x3;
	s6 =	sadd.s32 $0x63000, s31  }
0xb: {  	s11 =	sadd.s32 s7, s5;
	s5 =	smax.u32 s30, $0x1;
	s7 =	sadd.s32 $0x553000, s31  }
0xc: {  	s8 =	sadd.s32 $0x1000, s11;
	s9 =	sadd.s32 $0xAE00, s11;
	s11 =	simm.s32 $0x80  }
.LBB2_1:
0xd: {  	s17 =	sadd.s32 $0x0, s9  }
0xe: {  	[tilespmem:s2], [sflag:$0x3] =	stream.linear.gather [hbm4b:s17+s2], $0x80, $0x38;
	[tilespmem:$0x8100] =	vst v63  }
0xf: {  	_ =	swait.ge [sflag:s10], $0x80  }
0x10: {  	[sflag:s10] =	ssyncset.done $0x0  }
0x11: {  	s31 =	sadd.s32 $0x0, s8;
	[sflag:s10] =	ssyncadd.s32 $0xFFFFFF80  }
0x12: {  	[tilespmem:s11], [sflag:$0x3] =	stream.linear.gather [hbm4b:s31+s2], $0x80, $0x38;
	[tilespmem:$0x8100] =	vst v63  }
0x13: {  	_ =	swait.ge [sflag:s10], $0x80  }
0x14: {  	[sflag:s10] =	ssyncset.done $0x0  }
0x15: {  	[sflag:s10] =	ssyncadd.s32 $0xFFFFFF80  }
0x16: {  	[tilespmem:s12], [sflag:$0x1] =	stream.indirect.gather [hbm4b:s3+s11], $0x80, s2, s11, $0xb8;
	[tilespmem:$0x8100] =	vst v63  }
0x17: {  	_ = 	snop  }
0x18: {  	[tilespmem:s13], [sflag:$0x2] =	stream.indirect.gather [hbm4b:s4+s11], $0x80, s11, s11, $0xb8;
	[tilespmem:$0x8100] =	vst v63  }
0x19: {  	_ =	swait.ge [sflag:s14], $0x4000  }
0x1a: {  	[sflag:s14] =	ssyncset.done $0x0  }
0x1b: {  	[sflag:s14] =	ssyncadd.s32 $0xFFFFC000  }
0x1c: {  	_ =	swait.ge [sflag:s15], $0x4000  }
0x1d: {  	[sflag:s15] =	ssyncset.done $0x0  }
0x1e: {  	[sflag:s15] =	ssyncadd.s32 $0xFFFFC000  }
0x1f: {  	[hbm4b:s6+s2] =	stream.linear.scatter [tilespmem:s12], [sflag:$0x3], $0x4000, $0x38;
	[tilespmem:$0x8100] =	vst v63  }
0x20: {  	_ =	swait.ge [sflag:s10], $0x4000  }
0x21: {  	[sflag:s10] =	ssyncset.done $0x0  }
0x22: {  	[sflag:s10] =	ssyncadd.s32 $0xFFFFC000  }
0x23: {  	[hbm4b:s7+s2] =	stream.linear.scatter [tilespmem:s13], [sflag:$0x3], $0x4000, $0x38;
	[tilespmem:$0x8100] =	vst v63  }
0x24: {  	s19 =	simm.s32 $0x10;
	s20 =	simm.s32 $0x20;
	_ =	swait.ge [sflag:s10], $0x4000  }
0x25: {  	s18 =	sadd.s32 $0x800, s6;
	s17 =	sadd.s32 $0x800, s7;
	[sflag:s10] =	ssyncset.done $0x0  }
.LBB2_2:
0x26: {  	s21 =	sadd.s32 s19, s9  }
0x27: {  	[sflag:s10] =	ssyncadd.s32 $0xFFFFC000;
	s22 =	smov.u32 s20;
	s23 =	sadd.s32 $0x10, s20  }
0x28: {  	[tilespmem:s2], [sflag:$0x3] =	stream.linear.gather [hbm4b:s21+s2], $0x80, $0x38;
	[tilespmem:$0x8100] =	vst v63  }
0x29: {  	p0 =	sne.s32 s20, $0x4E0;
	_ =	swait.ge [sflag:s10], $0x80  }
0x2a: {  	[sflag:s10] =	ssyncset.done $0x0  }
0x2b: {  	s20 =	sadd.s32 s19, s8;
	s19 =	smov.u32 s22;
	[sflag:s10] =	ssyncadd.s32 $0xFFFFFF80  }
0x2c: {  	[tilespmem:s11], [sflag:$0x3] =	stream.linear.gather [hbm4b:s20+s2], $0x80, $0x38;
	[tilespmem:$0x8100] =	vst v63  }
0x2d: {  	_ =	swait.ge [sflag:s10], $0x80  }
0x2e: {  	[sflag:s10] =	ssyncset.done $0x0  }
0x2f: {  	[sflag:s10] =	ssyncadd.s32 $0xFFFFFF80  }
0x30: {  	[tilespmem:s12], [sflag:$0x1] =	stream.indirect.gather [hbm4b:s3+s11], $0x80, s2, s11, $0xb8;
	[tilespmem:$0x8100] =	vst v63  }
0x31: {  	_ = 	snop  }
0x32: {  	[tilespmem:s13], [sflag:$0x2] =	stream.indirect.gather [hbm4b:s4+s11], $0x80, s11, s11, $0xb8;
	[tilespmem:$0x8100] =	vst v63  }
0x33: {  	_ =	swait.ge [sflag:s14], $0x4000  }
0x34: {  	[sflag:s14] =	ssyncset.done $0x0  }
0x35: {  	[sflag:s14] =	ssyncadd.s32 $0xFFFFC000  }
0x36: {  	_ =	swait.ge [sflag:s15], $0x4000  }
0x37: {  	[sflag:s15] =	ssyncset.done $0x0  }
0x38: {  	[sflag:s15] =	ssyncadd.s32 $0xFFFFC000  }
0x39: {  	[hbm4b:s18+s2] =	stream.linear.scatter [tilespmem:s12], [sflag:$0x3], $0x4000, $0x38;
	[tilespmem:$0x8100] =	vst v63  }
0x3a: {  	_ =	swait.ge [sflag:s10], $0x4000  }
.Ltmp0:
0x3b: {  	[sflag:s10] =	ssyncset.done $0x0;
	(pc) =	sbr.rel @p0 .LBB2_2-.Ltmp0, $4  }
0x3c: {  	[sflag:s10] =	ssyncadd.s32 $0xFFFFC000  }
0x3d: {  	[hbm4b:s17+s2] =	stream.linear.scatter [tilespmem:s13], [sflag:$0x3], $0x4000, $0x38;
	[tilespmem:$0x8100] =	vst v63  }
0x3e: {  	s20 =	smov.u32 s23;
	_ =	swait.ge [sflag:s10], $0x4000  }
0x3f: {  	s18 =	sadd.s32 $0x800, s18;
	s17 =	sadd.s32 $0x800, s17;
	[sflag:s10] =	ssyncset.done $0x0  }
0x40: {  	s20 =	sadd.s32 s19, s9;
	[sflag:s10] =	ssyncadd.s32 $0xFFFFC000  }
0x41: {  	[tilespmem:s2], [sflag:$0x3] =	stream.linear.gather [hbm4b:s20+s2], $0x80, $0x38;
	[tilespmem:$0x8100] =	vst v63  }
0x42: {  	_ =	swait.ge [sflag:s10], $0x80  }
0x43: {  	[sflag:s10] =	ssyncset.done $0x0  }
0x44: {  	s31 =	sadd.s32 s19, s8;
	[sflag:s10] =	ssyncadd.s32 $0xFFFFFF80  }
0x45: {  	[tilespmem:s11], [sflag:$0x3] =	stream.linear.gather [hbm4b:s31+s2], $0x80, $0x38;
	[tilespmem:$0x8100] =	vst v63  }
0x46: {  	_ =	swait.ge [sflag:s10], $0x80  }
0x47: {  	[sflag:s10] =	ssyncset.done $0x0  }
0x48: {  	[sflag:s10] =	ssyncadd.s32 $0xFFFFFF80  }
0x49: {  	[tilespmem:s12], [sflag:$0x1] =	stream.indirect.gather [hbm4b:s3+s11], $0x80, s2, s11, $0xb8;
	[tilespmem:$0x8100] =	vst v63  }
0x4a: {  	_ = 	snop  }
0x4b: {  	[tilespmem:s13], [sflag:$0x2] =	stream.indirect.gather [hbm4b:s4+s11], $0x80, s11, s11, $0xb8;
	[tilespmem:$0x8100] =	vst v63  }
0x4c: {  	_ =	swait.ge [sflag:s14], $0x4000  }
0x4d: {  	[sflag:s14] =	ssyncset.done $0x0  }
0x4e: {  	[sflag:s14] =	ssyncadd.s32 $0xFFFFC000  }
0x4f: {  	_ =	swait.ge [sflag:s15], $0x4000  }
0x50: {  	[sflag:s15] =	ssyncset.done $0x0  }
0x51: {  	[sflag:s15] =	ssyncadd.s32 $0xFFFFC000  }
0x52: {  	[hbm4b:s18+s2] =	stream.linear.scatter [tilespmem:s12], [sflag:$0x3], $0x4000, $0x38;
	[tilespmem:$0x8100] =	vst v63  }
0x53: {  	s16 =	sadd.s32 $0x1, s16;
	_ =	swait.ge [sflag:s10], $0x4000  }
0x54: {  	p0 =	sne.s32 s16, s5;
	[sflag:s10] =	ssyncset.done $0x0  }
.Ltmp1:
0x55: {  	[sflag:s10] =	ssyncadd.s32 $0xFFFFC000;
	(pc) =	sbr.rel @p0 .LBB2_1-.Ltmp1, $4  }
0x56: {  	[hbm4b:s17+s2] =	stream.linear.scatter [tilespmem:s13], [sflag:$0x3], $0x4000, $0x38;
	[tilespmem:$0x8100] =	vst v63  }
0x57: {  	_ =	swait.ge [sflag:s10], $0x4000  }
0x58: {  	[sflag:s10] =	ssyncset.done $0x0  }
0x59: {  	[sflag:s10] =	ssyncadd.s32 $0xFFFFC000  }
0x5a: {  	_ =	sfence.sel $0x180000  }
0x5b: {  	[bflag:$0x0] =	sbarrier.arrive $0xFFFF  }
0x5c: {  	p0 =	sne.s32 s1, $0x0;
	_ =	strace $0x90000047  }
0x5d: {  	s0 =	sadd.s32 @!p0 $0x100000, s0;
	[bflag:$0x2] =	sbarrier.arrive $0xFFFF  }
0x5e: {  	[sflag:s0] =	ssyncadd.tile.s32 @!p0 $0x1;
	_ =	shalt  }
.Lfunc_end2:
_tile_overlayer_lowered:
.L_overlay_start_2:
0x5f: {  	(tag) =	ssettag $0x2  }
0x60: {  	s0 =	rddreg [dreg:$0x0];
	s2 =	stileid.u32  }
0x61: {  	s1 =	rddreg [dreg:$0x1];
	p0 =	sne.s32 s2, $0x0  }
0x62: {  	s3 =	rddreg [dreg:$0x2];
	[bflag:$0x3] =	sbarrier.arrive $0xFFFF;
	s2 =	simm.s32 @!p0 $0x1C03  }
0x63: {  	[timem:s3], [sflag:s2] =	dma.local @!p0 [hbm:s0], s1  }
0x64: {  	s0 =	simm.s32 @!p0 $0x3  }
0x65: {  	_ =	swait.ge @!p0 [sflag:s0], s1  }
0x66: {  	s1 =	ssub.s32 @!p0 $0x0, s1;
	[sflag:s0] =	ssyncset.done @!p0 $0x0  }
0x67: {  	[sflag:s0] =	ssyncadd.s32 @!p0 s1  }
0x68: {  	[bflag:$0x3] =	sbarrier.arrive $0xFFFF  }
0x69: {  	_ =	shalt  }

</sc_bundles>
